<compile_context>
chip_gen: v7x
topology: tpu7x:2x2x1
jax: 0.10.2.dev20260603
libtpu: 0.0.44.dev20260713+nightly
codegen_flags: <defaults>
</compile_context>

<pallas_src>
import dataclasses
import functools

import jax
import jax.numpy as jnp
from jax import lax
from jax.experimental import pallas as pl
from jax.experimental.pallas import tpu as pltpu
from jax.experimental.pallas import tpu_sc as plsc

_LANES = 16
_NUM_WORKERS = 32


@functools.partial(jax.jit, static_argnums=(3, 4))
def _scatter_sorted(keys, vals, zeros_w, p, s_out):
    s_in = keys.shape[0] // p
    planes_per_w = p // _NUM_WORKERS
    mesh = plsc.VectorSubcoreMesh(core_axis_name="c", subcore_axis_name="s")
    cp = pltpu.CompilerParams()
    if "needs_layout_passes" in pltpu.CompilerParams.__dataclass_fields__:
        cp = dataclasses.replace(cp, needs_layout_passes=False)

    @functools.partial(
        pl.kernel,
        out_type=jax.ShapeDtypeStruct((p * s_out,), jnp.float32),
        mesh=mesh,
        compiler_params=cp,
        scratch_types=[
            pltpu.VMEM((s_in,), jnp.int32),
            pltpu.VMEM((s_in,), jnp.float32),
            pltpu.VMEM((s_out,), jnp.float32),
            pltpu.VMEM((s_out,), jnp.float32),
            pltpu.SemaphoreType.DMA,
            pltpu.SemaphoreType.DMA,
            pltpu.SemaphoreType.DMA,
            pltpu.SemaphoreType.DMA,
            pltpu.SemaphoreType.DMA,
        ],
    )
    def run(keys_hbm, vals_hbm, zeros_hbm, out_hbm, idx_v, x_v, pbuf0, pbuf1,
            sem_k, sem_x, sem_z0, sem_z1, sem_o):
        cid = lax.axis_index("c")
        sid = lax.axis_index("s")
        wid = sid * 2 + cid
        first = wid * planes_per_w
        bufs = (pbuf0, pbuf1)
        zsems = (sem_z0, sem_z1)
        zsrc = zeros_hbm.at[pl.ds(wid * s_out, s_out)]

        pltpu.async_copy(zsrc, pbuf0, sem_z0)
        pltpu.async_copy(zsrc, pbuf1, sem_z1)
        pltpu.async_copy(keys_hbm.at[pl.ds(first * s_in, s_in)], idx_v, sem_k)
        pltpu.async_copy(vals_hbm.at[pl.ds(first * s_in, s_in)], x_v, sem_x)

        @pl.loop(0, planes_per_w, step=2)
        def _(k):
            for b in (0, 1):
                i_pl = k + b
                plane = first + i_pl
                base = plane * s_out
                cur = bufs[b]
                oth = bufs[1 - b]
                src = pl.ds(plane * s_in, s_in)
                pltpu.make_async_copy(keys_hbm.at[src], idx_v, sem_k).wait()
                pltpu.make_async_copy(vals_hbm.at[src], x_v, sem_x).wait()

                @pl.when(i_pl > 0)
                def _():
                    pbase = pl.ds((plane - 1) * s_out, s_out)
                    pltpu.make_async_copy(oth, out_hbm.at[pbase], sem_o).wait()

                @pl.when((i_pl > 0) & (i_pl + 1 < planes_per_w))
                def _():
                    pltpu.async_copy(zsrc, oth, zsems[1 - b])

                pltpu.make_async_copy(zsrc, cur, zsems[b]).wait()

                @pl.loop(0, s_in, step=4 * _LANES)
                def _(j):
                    for u in range(4):
                        sl = pl.ds(j + u * _LANES, _LANES)
                        ii = idx_v[sl] - base
                        plsc.store_scatter(cur, [ii], x_v[sl])

                pltpu.async_copy(cur, out_hbm.at[pl.ds(base, s_out)], sem_o)

                @pl.when(i_pl + 1 < planes_per_w)
                def _():
                    nsrc = pl.ds((first + i_pl + 1) * s_in, s_in)
                    pltpu.async_copy(keys_hbm.at[nsrc], idx_v, sem_k)
                    pltpu.async_copy(vals_hbm.at[nsrc], x_v, sem_x)

        last = pl.ds((first + planes_per_w - 1) * s_out, s_out)
        pltpu.make_async_copy(bufs[(planes_per_w - 1) % 2], out_hbm.at[last],
                              sem_o).wait()

    return run(keys, vals, zeros_w)


def kernel(x, indices, output_size, out):
    n, c, h, w = x.shape
    h_out, w_out = out.shape[2], out.shape[3]
    p = n * c
    s_in = h * w
    s_out = h_out * w_out
    spatial_t = (jnp.asarray(output_size) * jnp.asarray(output_size)).astype(jnp.int32)
    idx = indices.reshape(p, s_in).astype(jnp.int32)
    offsets = (jnp.arange(p, dtype=jnp.int32) * spatial_t).reshape(p, 1)
    flat_idx = (idx + offsets).reshape(-1)
    keys, vals = lax.sort(
        (flat_idx, x.reshape(-1)), dimension=0, is_stable=False, num_keys=1
    )
    zeros_w = jnp.zeros((_NUM_WORKERS * s_out,), jnp.float32)
    res = _scatter_sorted(keys, vals, zeros_w, p, s_out)
    return res.reshape(n, c, h_out, w_out)

# --- scband reference (transcript-rebuilt; emitter-appended) ---
"""Pipeline reference for scband-torch-ops-aten-max-unpool2-d-out-module-53987738911047 (READ-ONLY COPY).

The authoritative reference and input builder live on the scoring server;
editing this copy changes nothing except your own understanding.
"""

import jax, jax.numpy as jnp
import numpy as np


def setup_inputs(seed: int = 0) -> dict:
    key = jax.random.key(seed)
    k1, k2 = jax.random.split(key)
    N, C, H, W = 8, 96, 112, 112
    H_out = W_out = 224
    x = jax.random.normal(k1, (N, C, H, W), dtype=jnp.float32)
    indices = jax.random.randint(k2, (N, C, H, W), 0, H_out * W_out, dtype=jnp.int32)
    out = jnp.zeros((N, C, H_out, W_out), dtype=jnp.float32)
    output_size = 224
    return {"x": x, "indices": indices, "output_size": output_size, "out": out}


def reference(x, indices, output_size, out):
    # aten.max_unpool2d.out: zero the output buffer, then scatter x values into
    # per-(n, c) flattened spatial planes at positions given by `indices`.
    N, C, H, W = x.shape
    H_out = out.shape[2]
    W_out = out.shape[3]
    spatial = H_out * W_out
    spatial_t = (jnp.asarray(output_size) * jnp.asarray(output_size)).astype(jnp.int32)
    idx = indices.reshape(N, C, H * W).astype(jnp.int32)
    offsets = (jnp.arange(N * C, dtype=jnp.int32) * spatial_t).reshape(N, C, 1)
    flat_idx = (idx + offsets).reshape(-1)
    res = jnp.zeros((N * C * spatial,), dtype=x.dtype).at[flat_idx].set(x.reshape(-1))
    return res.reshape(N, C, H_out, W_out)

if __name__ == "__main__":
    import jax
    _d = setup_inputs()
    print(jax.jit(kernel)(*tuple(_d.values())))

</pallas_src>

<mosaic_0001>
#map = affine_map<(d0, d1) -> (0)>
module attributes {stable_mosaic.version = 14 : i64} {
  func.func @run(%arg0: i32, %arg1: i32, %arg2: memref<9633792xi32, #tpu.memory_space<hbm>>, %arg3: memref<9633792xf32, #tpu.memory_space<hbm>>, %arg4: memref<1605632xf32, #tpu.memory_space<hbm>>, %arg5: memref<38535168xf32, #tpu.memory_space<hbm>>, %arg6: memref<12544xi32, #tpu.memory_space<vmem>>, %arg7: memref<12544xf32, #tpu.memory_space<vmem>>, %arg8: memref<50176xf32, #tpu.memory_space<vmem>>, %arg9: memref<50176xf32, #tpu.memory_space<vmem>>, %arg10: memref<!tpu.dma_semaphore, #tpu.memory_space<semaphore_mem>>, %arg11: memref<!tpu.dma_semaphore, #tpu.memory_space<semaphore_mem>>, %arg12: memref<!tpu.dma_semaphore, #tpu.memory_space<semaphore_mem>>, %arg13: memref<!tpu.dma_semaphore, #tpu.memory_space<semaphore_mem>>, %arg14: memref<!tpu.dma_semaphore, #tpu.memory_space<semaphore_mem>>) attributes {dimension_semantics = [#tpu.dimension_semantics<core_parallel>, #tpu.dimension_semantics<subcore_parallel>], iteration_bounds = array<i64: 2, 16>, scalar_prefetch = 0 : i64, scratch_operands = 9 : i64, tpu.core_type = #tpu.core_type<sc_vector_subcore>, window_params = [{transform_indices = #map}, {transform_indices = #map}, {transform_indices = #map}, {transform_indices = #map}]} {
    %mul3A = arith.constant 2 : i32
    %mul3A_0 = arith.muli %arg1, %mul3A : i32
    %add3A = arith.addi %mul3A_0, %arg0 : i32
    %mul3A_1 = arith.constant 24 : i32
    %mul3A_2 = arith.muli %add3A, %mul3A_1 : i32
    %mul3A_3 = arith.constant 50176 : i32
    %mul3A_4 = arith.muli %add3A, %mul3A_3 : i32
    %dma_start3A = tpu.memref_slice %arg4[%mul3A_4] : memref<1605632xf32, #tpu.memory_space<hbm>> -> memref<50176xf32, #tpu.memory_space<hbm>>
    %dma_start3A_5 = tpu.memref_slice %arg4[%mul3A_4] : memref<1605632xf32, #tpu.memory_space<hbm>> -> memref<50176xf32, #tpu.memory_space<hbm>>
    tpu.enqueue_dma source(%dma_start3A_5 : memref<50176xf32, #tpu.memory_space<hbm>>) target(%arg8 : memref<50176xf32, #tpu.memory_space<vmem>>) target_semaphore(%arg12 : memref<!tpu.dma_semaphore, #tpu.memory_space<semaphore_mem>>)
    %dma_start3A_6 = tpu.memref_slice %arg4[%mul3A_4] : memref<1605632xf32, #tpu.memory_space<hbm>> -> memref<50176xf32, #tpu.memory_space<hbm>>
    %dma_start3A_7 = tpu.memref_slice %arg4[%mul3A_4] : memref<1605632xf32, #tpu.memory_space<hbm>> -> memref<50176xf32, #tpu.memory_space<hbm>>
    tpu.enqueue_dma source(%dma_start3A_7 : memref<50176xf32, #tpu.memory_space<hbm>>) target(%arg9 : memref<50176xf32, #tpu.memory_space<vmem>>) target_semaphore(%arg13 : memref<!tpu.dma_semaphore, #tpu.memory_space<semaphore_mem>>)
    %mul3A_8 = arith.constant 12544 : i32
    %mul3A_9 = arith.muli %mul3A_2, %mul3A_8 : i32
    %dma_start3A_10 = tpu.memref_slice %arg2[%mul3A_9] : memref<9633792xi32, #tpu.memory_space<hbm>> -> memref<12544xi32, #tpu.memory_space<hbm>>
    %dma_start3A_11 = tpu.memref_slice %arg2[%mul3A_9] : memref<9633792xi32, #tpu.memory_space<hbm>> -> memref<12544xi32, #tpu.memory_space<hbm>>
    tpu.enqueue_dma source(%dma_start3A_11 : memref<12544xi32, #tpu.memory_space<hbm>>) target(%arg6 : memref<12544xi32, #tpu.memory_space<vmem>>) target_semaphore(%arg10 : memref<!tpu.dma_semaphore, #tpu.memory_space<semaphore_mem>>)
    %mul3A_12 = arith.constant 12544 : i32
    %mul3A_13 = arith.muli %mul3A_2, %mul3A_12 : i32
    %dma_start3A_14 = tpu.memref_slice %arg3[%mul3A_13] : memref<9633792xf32, #tpu.memory_space<hbm>> -> memref<12544xf32, #tpu.memory_space<hbm>>
    %dma_start3A_15 = tpu.memref_slice %arg3[%mul3A_13] : memref<9633792xf32, #tpu.memory_space<hbm>> -> memref<12544xf32, #tpu.memory_space<hbm>>
    tpu.enqueue_dma source(%dma_start3A_15 : memref<12544xf32, #tpu.memory_space<hbm>>) target(%arg7 : memref<12544xf32, #tpu.memory_space<vmem>>) target_semaphore(%arg11 : memref<!tpu.dma_semaphore, #tpu.memory_space<semaphore_mem>>)
    %scan3A = arith.constant 0 : i32
    %scan3A_16 = arith.constant 12 : i32
    %scan3A_17 = arith.addi %scan3A, %scan3A_16 : i32
    %scan3A_18 = arith.constant 1 : i32
    scf.for %scan3A_26 = %scan3A to %scan3A_17 step %scan3A_18  : i32 {
      %mul3A_27 = arith.constant 2 : i32
      %mul3A_28 = arith.muli %scan3A_26, %mul3A_27 : i32
      %add3A_29 = arith.constant 0 : i32
      %add3A_30 = arith.addi %add3A_29, %mul3A_28 : i32
      %add3A_31 = arith.constant 0 : i32
      %add3A_32 = arith.addi %add3A_30, %add3A_31 : i32
      %add3A_33 = arith.addi %mul3A_2, %add3A_32 : i32
      %mul3A_34 = arith.constant 50176 : i32
      %mul3A_35 = arith.muli %add3A_33, %mul3A_34 : i32
      %mul3A_36 = arith.constant 12544 : i32
      %mul3A_37 = arith.muli %add3A_33, %mul3A_36 : i32
      %dma_wait3A_38 = tpu.memref_slice %arg2[%mul3A_37] : memref<9633792xi32, #tpu.memory_space<hbm>> -> memref<12544xi32, #tpu.memory_space<hbm>>
      %dma_wait3A_39 = tpu.memref_slice %arg2[%mul3A_37] : memref<9633792xi32, #tpu.memory_space<hbm>> -> memref<12544xi32, #tpu.memory_space<hbm>>
      tpu.wait_dma2 semaphore(%arg10 : memref<!tpu.dma_semaphore, #tpu.memory_space<semaphore_mem>>) src(%dma_wait3A_39 : memref<12544xi32, #tpu.memory_space<hbm>>) dst(%arg6 : memref<12544xi32, #tpu.memory_space<vmem>>)
      %dma_wait3A_40 = tpu.memref_slice %arg3[%mul3A_37] : memref<9633792xf32, #tpu.memory_space<hbm>> -> memref<12544xf32, #tpu.memory_space<hbm>>
      %dma_wait3A_41 = tpu.memref_slice %arg3[%mul3A_37] : memref<9633792xf32, #tpu.memory_space<hbm>> -> memref<12544xf32, #tpu.memory_space<hbm>>
      tpu.wait_dma2 semaphore(%arg11 : memref<!tpu.dma_semaphore, #tpu.memory_space<semaphore_mem>>) src(%dma_wait3A_41 : memref<12544xf32, #tpu.memory_space<hbm>>) dst(%arg7 : memref<12544xf32, #tpu.memory_space<vmem>>)
      %gt3A = arith.constant 0 : i32
      %gt3A_42 = arith.cmpi sgt, %add3A_32, %gt3A : i32
      %convert_element_type3A = arith.extui %gt3A_42 : i1 to i32
      %cond3A = arith.constant 0 : i32
      %cond3A_43 = arith.cmpi ne, %convert_element_type3A, %cond3A : i32
      scf.if %cond3A_43 {
        %sub3A_110 = arith.constant 1 : i32
        %sub3A_111 = arith.subi %add3A_33, %sub3A_110 : i32
        %mul3A_112 = arith.constant 50176 : i32
        %mul3A_113 = arith.muli %sub3A_111, %mul3A_112 : i32
        %dma_wait3A_114 = tpu.memref_slice %arg5[%mul3A_113] : memref<38535168xf32, #tpu.memory_space<hbm>> -> memref<50176xf32, #tpu.memory_space<hbm>>
        %dma_wait3A_115 = tpu.memref_slice %arg5[%mul3A_113] : memref<38535168xf32, #tpu.memory_space<hbm>> -> memref<50176xf32, #tpu.memory_space<hbm>>
        tpu.wait_dma2 semaphore(%arg14 : memref<!tpu.dma_semaphore, #tpu.memory_space<semaphore_mem>>) src(%arg9 : memref<50176xf32, #tpu.memory_space<vmem>>) dst(%dma_wait3A_115 : memref<50176xf32, #tpu.memory_space<hbm>>)
      } else {
      }
      %gt3A_44 = arith.constant 0 : i32
      %gt3A_45 = arith.cmpi sgt, %add3A_32, %gt3A_44 : i32
      %add3A_46 = arith.constant 1 : i32
      %add3A_47 = arith.addi %add3A_32, %add3A_46 : i32
      %lt3A = arith.constant 24 : i32
      %lt3A_48 = arith.cmpi slt, %add3A_47, %lt3A : i32
      %and3A = arith.andi %gt3A_45, %lt3A_48 : i1
      %convert_element_type3A_49 = arith.extui %and3A : i1 to i32
      %cond3A_50 = arith.constant 0 : i32
      %cond3A_51 = arith.cmpi ne, %convert_element_type3A_49, %cond3A_50 : i32
      scf.if %cond3A_51 {
        %dma_start3A_110 = tpu.memref_slice %arg4[%mul3A_4] : memref<1605632xf32, #tpu.memory_space<hbm>> -> memref<50176xf32, #tpu.memory_space<hbm>>
        %dma_start3A_111 = tpu.memref_slice %arg4[%mul3A_4] : memref<1605632xf32, #tpu.memory_space<hbm>> -> memref<50176xf32, #tpu.memory_space<hbm>>
        tpu.enqueue_dma source(%dma_start3A_111 : memref<50176xf32, #tpu.memory_space<hbm>>) target(%arg9 : memref<50176xf32, #tpu.memory_space<vmem>>) target_semaphore(%arg13 : memref<!tpu.dma_semaphore, #tpu.memory_space<semaphore_mem>>)
      } else {
      }
      %dma_wait3A_52 = tpu.memref_slice %arg4[%mul3A_4] : memref<1605632xf32, #tpu.memory_space<hbm>> -> memref<50176xf32, #tpu.memory_space<hbm>>
      %dma_wait3A_53 = tpu.memref_slice %arg4[%mul3A_4] : memref<1605632xf32, #tpu.memory_space<hbm>> -> memref<50176xf32, #tpu.memory_space<hbm>>
      tpu.wait_dma2 semaphore(%arg12 : memref<!tpu.dma_semaphore, #tpu.memory_space<semaphore_mem>>) src(%dma_wait3A_53 : memref<50176xf32, #tpu.memory_space<hbm>>) dst(%arg8 : memref<50176xf32, #tpu.memory_space<vmem>>)
      %scan3A_54 = arith.constant 0 : i32
      %scan3A_55 = arith.constant 196 : i32
      %scan3A_56 = arith.addi %scan3A_54, %scan3A_55 : i32
      %scan3A_57 = arith.constant 1 : i32
      scf.for %scan3A_110 = %scan3A_54 to %scan3A_56 step %scan3A_57  : i32 {
        %mul3A_111 = arith.constant 64 : i32
        %mul3A_112 = arith.muli %scan3A_110, %mul3A_111 : i32
        %add3A_113 = arith.constant 0 : i32
        %add3A_114 = arith.addi %add3A_113, %mul3A_112 : i32
        %add3A_115 = arith.constant 0 : i32
        %add3A_116 = arith.addi %add3A_114, %add3A_115 : i32
        %get3A = arith.index_cast %add3A_116 : i32 to index
        %get3A_117 = tpu.vector_load %arg6[%get3A] {strides = array<i32>} : memref<12544xi32, #tpu.memory_space<vmem>>, vector<16xi32>,
        %sub3A_118 = vector.broadcast %mul3A_35 : i32 to vector<16xi32>
        %sub3A_119 = arith.subi %get3A_117, %sub3A_118 : vector<16xi32>
        %get3A_120 = arith.index_cast %add3A_116 : i32 to index
        %get3A_121 = tpu.vector_load %arg7[%get3A_120] {strides = array<i32>} : memref<12544xf32, #tpu.memory_space<vmem>>, vector<16xf32>,
        tpu.vector_store_idx %arg8[%sub3A_119], %get3A_121 : memref<50176xf32, #tpu.memory_space<vmem>>[vector<16xi32>], vector<16xf32>,
        %add3A_122 = arith.constant 16 : i32
        %add3A_123 = arith.addi %add3A_114, %add3A_122 : i32
        %get3A_124 = arith.index_cast %add3A_123 : i32 to index
        %get3A_125 = tpu.vector_load %arg6[%get3A_124] {strides = array<i32>} : memref<12544xi32, #tpu.memory_space<vmem>>, vector<16xi32>,
        %sub3A_126 = vector.broadcast %mul3A_35 : i32 to vector<16xi32>
        %sub3A_127 = arith.subi %get3A_125, %sub3A_126 : vector<16xi32>
        %get3A_128 = arith.index_cast %add3A_123 : i32 to index
        %get3A_129 = tpu.vector_load %arg7[%get3A_128] {strides = array<i32>} : memref<12544xf32, #tpu.memory_space<vmem>>, vector<16xf32>,
        tpu.vector_store_idx %arg8[%sub3A_127], %get3A_129 : memref<50176xf32, #tpu.memory_space<vmem>>[vector<16xi32>], vector<16xf32>,
        %add3A_130 = arith.constant 32 : i32
        %add3A_131 = arith.addi %add3A_114, %add3A_130 : i32
        %get3A_132 = arith.index_cast %add3A_131 : i32 to index
        %get3A_133 = tpu.vector_load %arg6[%get3A_132] {strides = array<i32>} : memref<12544xi32, #tpu.memory_space<vmem>>, vector<16xi32>,
        %sub3A_134 = vector.broadcast %mul3A_35 : i32 to vector<16xi32>
        %sub3A_135 = arith.subi %get3A_133, %sub3A_134 : vector<16xi32>
        %get3A_136 = arith.index_cast %add3A_131 : i32 to index
        %get3A_137 = tpu.vector_load %arg7[%get3A_136] {strides = array<i32>} : memref<12544xf32, #tpu.memory_space<vmem>>, vector<16xf32>,
        tpu.vector_store_idx %arg8[%sub3A_135], %get3A_137 : memref<50176xf32, #tpu.memory_space<vmem>>[vector<16xi32>], vector<16xf32>,
        %add3A_138 = arith.constant 48 : i32
        %add3A_139 = arith.addi %add3A_114, %add3A_138 : i32
        %get3A_140 = arith.index_cast %add3A_139 : i32 to index
        %get3A_141 = tpu.vector_load %arg6[%get3A_140] {strides = array<i32>} : memref<12544xi32, #tpu.memory_space<vmem>>, vector<16xi32>,
        %sub3A_142 = vector.broadcast %mul3A_35 : i32 to vector<16xi32>
        %sub3A_143 = arith.subi %get3A_141, %sub3A_142 : vector<16xi32>
        %get3A_144 = arith.index_cast %add3A_139 : i32 to index
        %get3A_145 = tpu.vector_load %arg7[%get3A_144] {strides = array<i32>} : memref<12544xf32, #tpu.memory_space<vmem>>, vector<16xf32>,
        tpu.vector_store_idx %arg8[%sub3A_143], %get3A_145 : memref<50176xf32, #tpu.memory_space<vmem>>[vector<16xi32>], vector<16xf32>,
      }
      %scan3A_58 = arith.constant 196 : i32
      %dma_start3A_59 = tpu.memref_slice %arg5[%mul3A_35] : memref<38535168xf32, #tpu.memory_space<hbm>> -> memref<50176xf32, #tpu.memory_space<hbm>>
      %dma_start3A_60 = tpu.memref_slice %arg5[%mul3A_35] : memref<38535168xf32, #tpu.memory_space<hbm>> -> memref<50176xf32, #tpu.memory_space<hbm>>
      tpu.enqueue_dma source(%arg8 : memref<50176xf32, #tpu.memory_space<vmem>>) target(%dma_start3A_60 : memref<50176xf32, #tpu.memory_space<hbm>>) target_semaphore(%arg14 : memref<!tpu.dma_semaphore, #tpu.memory_space<semaphore_mem>>)
      %add3A_61 = arith.constant 1 : i32
      %add3A_62 = arith.addi %add3A_32, %add3A_61 : i32
      %lt3A_63 = arith.constant 24 : i32
      %lt3A_64 = arith.cmpi slt, %add3A_62, %lt3A_63 : i32
      %convert_element_type3A_65 = arith.extui %lt3A_64 : i1 to i32
      %cond3A_66 = arith.constant 0 : i32
      %cond3A_67 = arith.cmpi ne, %convert_element_type3A_65, %cond3A_66 : i32
      scf.if %cond3A_67 {
        %add3A_110 = arith.addi %mul3A_2, %add3A_32 : i32
        %add3A_111 = arith.constant 1 : i32
        %add3A_112 = arith.addi %add3A_110, %add3A_111 : i32
        %mul3A_113 = arith.constant 12544 : i32
        %mul3A_114 = arith.muli %add3A_112, %mul3A_113 : i32
        %dma_start3A_115 = tpu.memref_slice %arg2[%mul3A_114] : memref<9633792xi32, #tpu.memory_space<hbm>> -> memref<12544xi32, #tpu.memory_space<hbm>>
        %dma_start3A_116 = tpu.memref_slice %arg2[%mul3A_114] : memref<9633792xi32, #tpu.memory_space<hbm>> -> memref<12544xi32, #tpu.memory_space<hbm>>
        tpu.enqueue_dma source(%dma_start3A_116 : memref<12544xi32, #tpu.memory_space<hbm>>) target(%arg6 : memref<12544xi32, #tpu.memory_space<vmem>>) target_semaphore(%arg10 : memref<!tpu.dma_semaphore, #tpu.memory_space<semaphore_mem>>)
        %dma_start3A_117 = tpu.memref_slice %arg3[%mul3A_114] : memref<9633792xf32, #tpu.memory_space<hbm>> -> memref<12544xf32, #tpu.memory_space<hbm>>
        %dma_start3A_118 = tpu.memref_slice %arg3[%mul3A_114] : memref<9633792xf32, #tpu.memory_space<hbm>> -> memref<12544xf32, #tpu.memory_space<hbm>>
        tpu.enqueue_dma source(%dma_start3A_118 : memref<12544xf32, #tpu.memory_space<hbm>>) target(%arg7 : memref<12544xf32, #tpu.memory_space<vmem>>) target_semaphore(%arg11 : memref<!tpu.dma_semaphore, #tpu.memory_space<semaphore_mem>>)
      } else {
      }
      %add3A_68 = arith.constant 1 : i32
      %add3A_69 = arith.addi %add3A_30, %add3A_68 : i32
      %add3A_70 = arith.addi %mul3A_2, %add3A_69 : i32
      %mul3A_71 = arith.constant 50176 : i32
      %mul3A_72 = arith.muli %add3A_70, %mul3A_71 : i32
      %mul3A_73 = arith.constant 12544 : i32
      %mul3A_74 = arith.muli %add3A_70, %mul3A_73 : i32
      %dma_wait3A_75 = tpu.memref_slice %arg2[%mul3A_74] : memref<9633792xi32, #tpu.memory_space<hbm>> -> memref<12544xi32, #tpu.memory_space<hbm>>
      %dma_wait3A_76 = tpu.memref_slice %arg2[%mul3A_74] : memref<9633792xi32, #tpu.memory_space<hbm>> -> memref<12544xi32, #tpu.memory_space<hbm>>
      tpu.wait_dma2 semaphore(%arg10 : memref<!tpu.dma_semaphore, #tpu.memory_space<semaphore_mem>>) src(%dma_wait3A_76 : memref<12544xi32, #tpu.memory_space<hbm>>) dst(%arg6 : memref<12544xi32, #tpu.memory_space<vmem>>)
      %dma_wait3A_77 = tpu.memref_slice %arg3[%mul3A_74] : memref<9633792xf32, #tpu.memory_space<hbm>> -> memref<12544xf32, #tpu.memory_space<hbm>>
      %dma_wait3A_78 = tpu.memref_slice %arg3[%mul3A_74] : memref<9633792xf32, #tpu.memory_space<hbm>> -> memref<12544xf32, #tpu.memory_space<hbm>>
      tpu.wait_dma2 semaphore(%arg11 : memref<!tpu.dma_semaphore, #tpu.memory_space<semaphore_mem>>) src(%dma_wait3A_78 : memref<12544xf32, #tpu.memory_space<hbm>>) dst(%arg7 : memref<12544xf32, #tpu.memory_space<vmem>>)
      %gt3A_79 = arith.constant 0 : i32
      %gt3A_80 = arith.cmpi sgt, %add3A_69, %gt3A_79 : i32
      %convert_element_type3A_81 = arith.extui %gt3A_80 : i1 to i32
      %cond3A_82 = arith.constant 0 : i32
      %cond3A_83 = arith.cmpi ne, %convert_element_type3A_81, %cond3A_82 : i32
      scf.if %cond3A_83 {
        %sub3A_110 = arith.constant 1 : i32
        %sub3A_111 = arith.subi %add3A_70, %sub3A_110 : i32
        %mul3A_112 = arith.constant 50176 : i32
        %mul3A_113 = arith.muli %sub3A_111, %mul3A_112 : i32
        %dma_wait3A_114 = tpu.memref_slice %arg5[%mul3A_113] : memref<38535168xf32, #tpu.memory_space<hbm>> -> memref<50176xf32, #tpu.memory_space<hbm>>
        %dma_wait3A_115 = tpu.memref_slice %arg5[%mul3A_113] : memref<38535168xf32, #tpu.memory_space<hbm>> -> memref<50176xf32, #tpu.memory_space<hbm>>
        tpu.wait_dma2 semaphore(%arg14 : memref<!tpu.dma_semaphore, #tpu.memory_space<semaphore_mem>>) src(%arg8 : memref<50176xf32, #tpu.memory_space<vmem>>) dst(%dma_wait3A_115 : memref<50176xf32, #tpu.memory_space<hbm>>)
      } else {
      }
      %gt3A_84 = arith.constant 0 : i32
      %gt3A_85 = arith.cmpi sgt, %add3A_69, %gt3A_84 : i32
      %add3A_86 = arith.constant 1 : i32
      %add3A_87 = arith.addi %add3A_69, %add3A_86 : i32
      %lt3A_88 = arith.constant 24 : i32
      %lt3A_89 = arith.cmpi slt, %add3A_87, %lt3A_88 : i32
      %and3A_90 = arith.andi %gt3A_85, %lt3A_89 : i1
      %convert_element_type3A_91 = arith.extui %and3A_90 : i1 to i32
      %cond3A_92 = arith.constant 0 : i32
      %cond3A_93 = arith.cmpi ne, %convert_element_type3A_91, %cond3A_92 : i32
      scf.if %cond3A_93 {
        %dma_start3A_110 = tpu.memref_slice %arg4[%mul3A_4] : memref<1605632xf32, #tpu.memory_space<hbm>> -> memref<50176xf32, #tpu.memory_space<hbm>>
        %dma_start3A_111 = tpu.memref_slice %arg4[%mul3A_4] : memref<1605632xf32, #tpu.memory_space<hbm>> -> memref<50176xf32, #tpu.memory_space<hbm>>
        tpu.enqueue_dma source(%dma_start3A_111 : memref<50176xf32, #tpu.memory_space<hbm>>) target(%arg8 : memref<50176xf32, #tpu.memory_space<vmem>>) target_semaphore(%arg12 : memref<!tpu.dma_semaphore, #tpu.memory_space<semaphore_mem>>)
      } else {
      }
      %dma_wait3A_94 = tpu.memref_slice %arg4[%mul3A_4] : memref<1605632xf32, #tpu.memory_space<hbm>> -> memref<50176xf32, #tpu.memory_space<hbm>>
      %dma_wait3A_95 = tpu.memref_slice %arg4[%mul3A_4] : memref<1605632xf32, #tpu.memory_space<hbm>> -> memref<50176xf32, #tpu.memory_space<hbm>>
      tpu.wait_dma2 semaphore(%arg13 : memref<!tpu.dma_semaphore, #tpu.memory_space<semaphore_mem>>) src(%dma_wait3A_95 : memref<50176xf32, #tpu.memory_space<hbm>>) dst(%arg9 : memref<50176xf32, #tpu.memory_space<vmem>>)
      %scan3A_96 = arith.constant 0 : i32
      %scan3A_97 = arith.constant 196 : i32
      %scan3A_98 = arith.addi %scan3A_96, %scan3A_97 : i32
      %scan3A_99 = arith.constant 1 : i32
      scf.for %scan3A_110 = %scan3A_96 to %scan3A_98 step %scan3A_99  : i32 {
        %mul3A_111 = arith.constant 64 : i32
        %mul3A_112 = arith.muli %scan3A_110, %mul3A_111 : i32
        %add3A_113 = arith.constant 0 : i32
        %add3A_114 = arith.addi %add3A_113, %mul3A_112 : i32
        %add3A_115 = arith.constant 0 : i32
        %add3A_116 = arith.addi %add3A_114, %add3A_115 : i32
        %get3A = arith.index_cast %add3A_116 : i32 to index
        %get3A_117 = tpu.vector_load %arg6[%get3A] {strides = array<i32>} : memref<12544xi32, #tpu.memory_space<vmem>>, vector<16xi32>,
        %sub3A_118 = vector.broadcast %mul3A_72 : i32 to vector<16xi32>
        %sub3A_119 = arith.subi %get3A_117, %sub3A_118 : vector<16xi32>
        %get3A_120 = arith.index_cast %add3A_116 : i32 to index
        %get3A_121 = tpu.vector_load %arg7[%get3A_120] {strides = array<i32>} : memref<12544xf32, #tpu.memory_space<vmem>>, vector<16xf32>,
        tpu.vector_store_idx %arg9[%sub3A_119], %get3A_121 : memref<50176xf32, #tpu.memory_space<vmem>>[vector<16xi32>], vector<16xf32>,
        %add3A_122 = arith.constant 16 : i32
        %add3A_123 = arith.addi %add3A_114, %add3A_122 : i32
        %get3A_124 = arith.index_cast %add3A_123 : i32 to index
        %get3A_125 = tpu.vector_load %arg6[%get3A_124] {strides = array<i32>} : memref<12544xi32, #tpu.memory_space<vmem>>, vector<16xi32>,
        %sub3A_126 = vector.broadcast %mul3A_72 : i32 to vector<16xi32>
        %sub3A_127 = arith.subi %get3A_125, %sub3A_126 : vector<16xi32>
        %get3A_128 = arith.index_cast %add3A_123 : i32 to index
        %get3A_129 = tpu.vector_load %arg7[%get3A_128] {strides = array<i32>} : memref<12544xf32, #tpu.memory_space<vmem>>, vector<16xf32>,
        tpu.vector_store_idx %arg9[%sub3A_127], %get3A_129 : memref<50176xf32, #tpu.memory_space<vmem>>[vector<16xi32>], vector<16xf32>,
        %add3A_130 = arith.constant 32 : i32
        %add3A_131 = arith.addi %add3A_114, %add3A_130 : i32
        %get3A_132 = arith.index_cast %add3A_131 : i32 to index
        %get3A_133 = tpu.vector_load %arg6[%get3A_132] {strides = array<i32>} : memref<12544xi32, #tpu.memory_space<vmem>>, vector<16xi32>,
        %sub3A_134 = vector.broadcast %mul3A_72 : i32 to vector<16xi32>
        %sub3A_135 = arith.subi %get3A_133, %sub3A_134 : vector<16xi32>
        %get3A_136 = arith.index_cast %add3A_131 : i32 to index
        %get3A_137 = tpu.vector_load %arg7[%get3A_136] {strides = array<i32>} : memref<12544xf32, #tpu.memory_space<vmem>>, vector<16xf32>,
        tpu.vector_store_idx %arg9[%sub3A_135], %get3A_137 : memref<50176xf32, #tpu.memory_space<vmem>>[vector<16xi32>], vector<16xf32>,
        %add3A_138 = arith.constant 48 : i32
        %add3A_139 = arith.addi %add3A_114, %add3A_138 : i32
        %get3A_140 = arith.index_cast %add3A_139 : i32 to index
        %get3A_141 = tpu.vector_load %arg6[%get3A_140] {strides = array<i32>} : memref<12544xi32, #tpu.memory_space<vmem>>, vector<16xi32>,
        %sub3A_142 = vector.broadcast %mul3A_72 : i32 to vector<16xi32>
        %sub3A_143 = arith.subi %get3A_141, %sub3A_142 : vector<16xi32>
        %get3A_144 = arith.index_cast %add3A_139 : i32 to index
        %get3A_145 = tpu.vector_load %arg7[%get3A_144] {strides = array<i32>} : memref<12544xf32, #tpu.memory_space<vmem>>, vector<16xf32>,
        tpu.vector_store_idx %arg9[%sub3A_143], %get3A_145 : memref<50176xf32, #tpu.memory_space<vmem>>[vector<16xi32>], vector<16xf32>,
      }
      %scan3A_100 = arith.constant 196 : i32
      %dma_start3A_101 = tpu.memref_slice %arg5[%mul3A_72] : memref<38535168xf32, #tpu.memory_space<hbm>> -> memref<50176xf32, #tpu.memory_space<hbm>>
      %dma_start3A_102 = tpu.memref_slice %arg5[%mul3A_72] : memref<38535168xf32, #tpu.memory_space<hbm>> -> memref<50176xf32, #tpu.memory_space<hbm>>
      tpu.enqueue_dma source(%arg9 : memref<50176xf32, #tpu.memory_space<vmem>>) target(%dma_start3A_102 : memref<50176xf32, #tpu.memory_space<hbm>>) target_semaphore(%arg14 : memref<!tpu.dma_semaphore, #tpu.memory_space<semaphore_mem>>)
      %add3A_103 = arith.constant 1 : i32
      %add3A_104 = arith.addi %add3A_69, %add3A_103 : i32
      %lt3A_105 = arith.constant 24 : i32
      %lt3A_106 = arith.cmpi slt, %add3A_104, %lt3A_105 : i32
      %convert_element_type3A_107 = arith.extui %lt3A_106 : i1 to i32
      %cond3A_108 = arith.constant 0 : i32
      %cond3A_109 = arith.cmpi ne, %convert_element_type3A_107, %cond3A_108 : i32
      scf.if %cond3A_109 {
        %add3A_110 = arith.addi %mul3A_2, %add3A_69 : i32
        %add3A_111 = arith.constant 1 : i32
        %add3A_112 = arith.addi %add3A_110, %add3A_111 : i32
        %mul3A_113 = arith.constant 12544 : i32
        %mul3A_114 = arith.muli %add3A_112, %mul3A_113 : i32
        %dma_start3A_115 = tpu.memref_slice %arg2[%mul3A_114] : memref<9633792xi32, #tpu.memory_space<hbm>> -> memref<12544xi32, #tpu.memory_space<hbm>>
        %dma_start3A_116 = tpu.memref_slice %arg2[%mul3A_114] : memref<9633792xi32, #tpu.memory_space<hbm>> -> memref<12544xi32, #tpu.memory_space<hbm>>
        tpu.enqueue_dma source(%dma_start3A_116 : memref<12544xi32, #tpu.memory_space<hbm>>) target(%arg6 : memref<12544xi32, #tpu.memory_space<vmem>>) target_semaphore(%arg10 : memref<!tpu.dma_semaphore, #tpu.memory_space<semaphore_mem>>)
        %dma_start3A_117 = tpu.memref_slice %arg3[%mul3A_114] : memref<9633792xf32, #tpu.memory_space<hbm>> -> memref<12544xf32, #tpu.memory_space<hbm>>
        %dma_start3A_118 = tpu.memref_slice %arg3[%mul3A_114] : memref<9633792xf32, #tpu.memory_space<hbm>> -> memref<12544xf32, #tpu.memory_space<hbm>>
        tpu.enqueue_dma source(%dma_start3A_118 : memref<12544xf32, #tpu.memory_space<hbm>>) target(%arg7 : memref<12544xf32, #tpu.memory_space<vmem>>) target_semaphore(%arg11 : memref<!tpu.dma_semaphore, #tpu.memory_space<semaphore_mem>>)
      } else {
      }
    }
    %scan3A_19 = arith.constant 12 : i32
    %add3A_20 = arith.constant 24 : i32
    %add3A_21 = arith.addi %mul3A_2, %add3A_20 : i32
    %sub3A = arith.constant 1 : i32
    %sub3A_22 = arith.subi %add3A_21, %sub3A : i32
    %mul3A_23 = arith.constant 50176 : i32
    %mul3A_24 = arith.muli %sub3A_22, %mul3A_23 : i32
    %dma_wait3A = tpu.memref_slice %arg5[%mul3A_24] : memref<38535168xf32, #tpu.memory_space<hbm>> -> memref<50176xf32, #tpu.memory_space<hbm>>
    %dma_wait3A_25 = tpu.memref_slice %arg5[%mul3A_24] : memref<38535168xf32, #tpu.memory_space<hbm>> -> memref<50176xf32, #tpu.memory_space<hbm>>
    tpu.wait_dma2 semaphore(%arg14 : memref<!tpu.dma_semaphore, #tpu.memory_space<semaphore_mem>>) src(%arg9 : memref<50176xf32, #tpu.memory_space<vmem>>) dst(%dma_wait3A_25 : memref<50176xf32, #tpu.memory_space<hbm>>)
    return
  }
}

</mosaic_0001>

<sc_bundles>
// kernel: _scatter_sorted.3.cloned.1.call-start
scs
__scs_entry_jumppad:
0x0: {  	(pc) =	sbr.rel $0x88, $3  }
0x1: {  	(tag) =	ssettag $0x0;
	lr =	simm.s32 $0x1  }
0x2: {  	[smem:$0x3F9E] =	sst lr;
	_ =	strace $0xD0000000  }
0x3: {  	_ = 	snop  }
0x4: {  	_ = 	snop  }
0x5: {  	_ = 	snop  }
0x6: {  	_ = 	snop  }
0x7: {  	_ = 	snop  }
__scs_overlays_trampoline_lowered:
0x8: {  	[smem:$0x3FAD] =	sst s0  }
0x9: {  	[smem:$0x3FAE] =	sst s1  }
0xa: {  	[smem:$0x3FAF] =	sst s2  }
0xb: {  	[smem:$0x3FB0] =	sst s3  }
0xc: {  	[smem:$0x3FB1] =	sst s4  }
0xd: {  	[smem:$0x3FB2] =	sst s5  }
0xe: {  	[smem:$0x3FB3] =	sst s6  }
0xf: {  	[smem:$0x3FB4] =	sst s7  }
0x10: {  	[smem:$0x3FB5] =	sst s8  }
0x11: {  	[smem:$0x3FB6] =	sst s9;
	s0 =	simm.s32 @!p0 $0x0  }
0x12: {  	s1 =	sld [smem:$0x3F9C];
	s0 =	simm.s32 @p0 $0x1  }
0x13: {  	[smem:$0x3FB7] =	sst s0;
	s0 =	simm.s32 @!p1 $0x0  }
0x14: {  	s2 =	sld [smem:$0x3F9B];
	s0 =	simm.s32 @p1 $0x1  }
0x15: {  	[smem:$0x3FB8] =	sst s0;
	s0 =	simm.s32 @!p2 $0x0  }
0x16: {  	s3 =	sld [smem:$0x3FDB];
	s0 =	simm.s32 @p2 $0x1  }
0x17: {  	s4 =	simm.s32 $0x1BF5;
	[smem:$0x3FBA] =	sst s0  }
0x18: {  	s0 =	sld [smem:$0x3F9D];
	_ =	swait.ge [sflag:s4], $0x0  }
0x19: {  	s7 =	sld [smem:$0x3F9E]  }
0x1a: {  	s8 =	sadd.s32 $0xFFFFE003, lr  }
0x1b: {  	s9 =	sadd.s32 $0xFFFFFEF7, lr;
	s5 =	simm.s32 $0xFFFFFFFF;
	p2 =	slt.u32 s8, $0xFFFFF086  }
0x1c: {  	p1 =	slt.u32 s9, $0xF7A;
	s5 =	simm.s32 @!p2 $0x0  }
0x1d: {  	s5 =	simm.s32 @p1 $0x1;
	p0 =	seq.s32 s7, s2  }
0x1e: {  	s7 =	smul.u32 @!p0 $0xF7A, s2;
	p2 =	seq.s32 @!p0 s5, $0x0  }
0x1f: {  	s9 =	smul.u32 $0xF7A, s1;
	s8 =	simm.s32 @!p0 $0x1BF5;
	p2 =	por !p2, p0  }
0x20: {  	[sflag:s8] =	ssyncset.s32 @!p0 $0xFFFFF086;
	s6 =	sadd.s32 @!p0 s3, s7;
	s7 =	simm.s32 @!p0 $0x108  }
0x21: {  	s3 =	sadd.s32 s3, s9;
	s6 =	sadd.s32 @!p0 $0x88, s6;
	s7 =	simm.s32 @p2 $0x1082  }
0x22: {  	[simem:s7], [sflag:s8] =	dma.local @!p0 [hbm:s6], $0xF7A  }
0x23: {  	s9 =	sor.u32 $0xD0000000, s2;
	s6 =	simm.s32 $0x108;
	_ =	swait.ge @!p0 [sflag:s8], $0x0  }
0x24: {  	s3 =	sadd.s32 $0x88, s3;
	s6 =	simm.s32 @!p1 $0x1082;
	[sflag:s4] =	ssyncset.s32 $0xFFFFF086  }
0x25: {  	[simem:s6], [sflag:s4] =	dma.local [hbm:s3], $0xF7A  }
0x26: {  	[smem:$0x3F9E] =	sst s1;
	(tag) =	ssettag s2;
	_ =	strace s9  }
0x27: {  	s1 =	sld [smem:$0x3FAE]  }
0x28: {  	s2 =	sld [smem:$0x3FAF]  }
0x29: {  	s4 =	sld [smem:$0x3FB1]  }
0x2a: {  	p0 =	seq.s32 s5, $0x0;
	s5 =	sld [smem:$0x3FB2]  }
0x2b: {  	s6 =	sld [smem:$0x3FB3]  }
0x2c: {  	s7 =	sld [smem:$0x3FB4]  }
0x2d: {  	s3 =	simm.s32 $0x108;
	s8 =	sld [smem:$0x3FB5]  }
0x2e: {  	s3 =	simm.s32 @!p0 $0x1082;
	s9 =	sld [smem:$0x3FB6]  }
0x2f: {  	lr =	sadd.s32 s0, s3;
	s0 =	sld [smem:$0x3FAD]  }
0x30: {  	s3 =	sld [smem:$0x3FB0]  }
0x31: {  	[smem:$0x3FB9] =	sst s10  }
0x32: {  	s10 =	sld [smem:$0x3FB7];
	_ =	sdelay $0x3  }
0x33: {  	p0 =	seq.s32 s10, $0x1;
	s10 =	sld [smem:$0x3FB9];
	_ =	sdelay $0x3  }
0x34: {  	[smem:$0x3FB9] =	sst s10  }
0x35: {  	s10 =	sld [smem:$0x3FB8];
	_ =	sdelay $0x3  }
0x36: {  	p1 =	seq.s32 s10, $0x1;
	s10 =	sld [smem:$0x3FB9];
	_ =	sdelay $0x3  }
0x37: {  	[smem:$0x3FB9] =	sst s10  }
0x38: {  	s10 =	sld [smem:$0x3FBA]  }
0x39: {  	_ = 	snop;
	(pc) =	sbr.ind lr, $3  }
0x3a: {  	_ = 	snop  }
0x3b: {  	_ = 	snop  }
0x3c: {  	p2 =	seq.s32 s10, $0x1;
	s10 =	sld [smem:$0x3FB9]  }
0x3d: {  	_ =	shalt  }
0x3e: {  	_ =	shalt  }
0x3f: {  	_ =	shalt  }
0x40: {  	_ =	shalt  }
0x41: {  	_ =	shalt  }
0x42: {  	_ =	shalt  }
0x43: {  	_ =	shalt  }
0x44: {  	_ =	shalt  }
0x45: {  	_ =	shalt  }
0x46: {  	_ =	shalt  }
0x47: {  	_ =	shalt  }
0x48: {  	_ =	shalt  }
0x49: {  	_ =	shalt  }
0x4a: {  	_ =	shalt  }
0x4b: {  	_ =	shalt  }
0x4c: {  	_ =	shalt  }
0x4d: {  	_ =	shalt  }
0x4e: {  	_ =	shalt  }
0x4f: {  	_ =	shalt  }
0x50: {  	_ =	shalt  }
0x51: {  	_ =	shalt  }
0x52: {  	_ =	shalt  }
0x53: {  	_ =	shalt  }
0x54: {  	_ =	shalt  }
0x55: {  	_ =	shalt  }
0x56: {  	_ =	shalt  }
0x57: {  	_ =	shalt  }
0x58: {  	_ =	shalt  }
0x59: {  	_ =	shalt  }
0x5a: {  	_ =	shalt  }
0x5b: {  	_ =	shalt  }
0x5c: {  	_ =	shalt  }
0x5d: {  	_ =	shalt  }
0x5e: {  	_ =	shalt  }
0x5f: {  	_ =	shalt  }
0x60: {  	_ =	shalt  }
0x61: {  	_ =	shalt  }
0x62: {  	_ =	shalt  }
0x63: {  	_ =	shalt  }
0x64: {  	_ =	shalt  }
0x65: {  	_ =	shalt  }
0x66: {  	_ =	shalt  }
0x67: {  	_ =	shalt  }
0x68: {  	_ =	shalt  }
0x69: {  	_ =	shalt  }
0x6a: {  	_ =	shalt  }
0x6b: {  	_ =	shalt  }
0x6c: {  	_ =	shalt  }
0x6d: {  	_ =	shalt  }
0x6e: {  	_ =	shalt  }
0x6f: {  	_ =	shalt  }
0x70: {  	_ =	shalt  }
0x71: {  	_ =	shalt  }
0x72: {  	_ =	shalt  }
0x73: {  	_ =	shalt  }
0x74: {  	_ =	shalt  }
0x75: {  	_ =	shalt  }
0x76: {  	_ =	shalt  }
0x77: {  	_ =	shalt  }
0x78: {  	_ =	shalt  }
0x79: {  	_ =	shalt  }
0x7a: {  	_ =	shalt  }
0x7b: {  	_ =	shalt  }
0x7c: {  	_ =	shalt  }
0x7d: {  	_ =	shalt  }
0x7e: {  	_ =	shalt  }
0x7f: {  	_ =	shalt  }
0x80: {  	_ =	shalt  }
0x81: {  	_ =	shalt  }
0x82: {  	_ =	shalt  }
0x83: {  	_ =	shalt  }
0x84: {  	_ =	shalt  }
0x85: {  	_ =	shalt  }
0x86: {  	_ =	shalt  }
0x87: {  	_ =	shalt  }
.Lfunc_end0:
.L_simem_size_0:
called_computation_lowered:
.L_overlay_start_0:
0x88: {  	s2 =	sld [smem:$0x3FD9]  }
0x89: {  	s3 =	sld [smem:$0x3FFE];
	_ =	sdelay $0x1  }
0x8a: {  	s1 =	srdreg.scid  }
0x8b: {  	s0 =	sand.u32 $0x1, s1  }
0x8c: {  	s18 =	sshll.u32 s0, $0xA;
	s2 =	sadd.s32 s3, s2  }
0x8d: {  	s2 =	sadd.s32 s2, s18  }
0x8e: {  	[smem:$0x3FC5] =	sst s2  }
0x8f: {  	_ = 	snop  }
0x90: {  	s2 =	sld [smem:$0x3FC9]  }
0x91: {  	s19 =	sld [smem:$0x3FC8]  }
0x92: {  	s4 =	sld [smem:$0x3FC7]  }
0x93: {  	s5 =	sld [smem:$0x3FD0];
	(tm) =	ssettm $0x1  }
0x94: {  	s6 =	sld [smem:$0x3FFB];
	_ =	sdelay $0x3  }
0x95: {  	_ =	strace s6  }
0x96: {  	s6 =	sld [smem:$0x3FFC];
	_ =	sdelay $0x3  }
0x97: {  	_ =	strace s6  }
0x98: {  	s6 =	sld [smem:$0x3FFD];
	_ =	sdelay $0x3  }
0x99: {  	_ =	strace s6  }
0x9a: {  	_ =	strace $0x8FFFFFFF  }
0x9b: {  	s20 =	sld [smem:$0x3FDB];
	_ =	sdelay $0x1  }
0x9c: {  	s7 =	simm.s32 $_scs_section_size  }
0x9d: {  	s8 =	simm.s32 $_size__tile_overlayer_lowered;
	s9 =	simm.s32 $_tile_overlayer_lowered  }
0x9e: {  	s23 =	simm.s32 $0x1BFF;
	s22 =	sshll.u32 s9, $0x1;
	s6 =	sadd.s32 s7, s20  }
0x9f: {  	s10 =	simm.s32 $0x0;
	s21 =	sshll.u32 s8, $0x1;
	s8 =	sadd.s32 s22, s6  }
0xa0: {  	[timem:s10], [sflag:s23] =	dma.local [hbm:s8], s21  }
0xa1: {  	_ =	swait.ge [sflag:s23], s21  }
0xa2: {  	s7 =	ssub.s32 $0x0, s21;
	[sflag:s23] =	ssyncset.done $0x0  }
0xa3: {  	[sflag:s23] =	ssyncadd.s32 s7;
	_ =	sdelay $0x1  }
0xa4: {  	s24 =	simm.s32 $0x1B8B  }
0xa5: {  	_ =	swait.ge [sflag:s24], $0x1  }
0xa6: {  	[sflag:s24] =	ssyncset.done $0x0  }
0xa7: {  	s25 =	simm.s32 $0x1B8E;
	[sflag:s24] =	ssyncadd.s32 $0xFFFFFFFF  }
0xa8: {  	s26 =	simm.s32 $execute0_lowered;
	[smem:$0x3FD2] =	sst s25  }
0xa9: {  	s7 =	sshll.u32 s26, $0x1;
	_ =	strace $0x80000046;
	[dreg:$0x1] =	wrdreg $0xFFFFFFFF  }
0xaa: {  	s28 =	simm.s32 $_size_execute0_lowered;
	s6 =	sadd.s32 s6, s7;
	[dreg:$0x0] =	wrdreg $0x0  }
0xab: {  	s7 =	sshll.u32 s28, $0x1;
	[dreg:$0x2] =	wrdreg s6  }
0xac: {  	[dreg:$0x3] =	wrdreg s7  }
0xad: {  	[dreg:$0x4] =	wrdreg $0xC0  }
0xae: {  	_ =	task [dreg:s10], $0x5FFFF  }
0xaf: {  	[dreg:$0x1] =	wrdreg $0xFFFFFFFF  }
0xb0: {  	[dreg:$0x0] =	wrdreg $0x60  }
0xb1: {  	[dreg:$0x2] =	wrdreg s2  }
0xb2: {  	[dreg:$0x3] =	wrdreg s19  }
0xb3: {  	[dreg:$0x4] =	wrdreg s4  }
0xb4: {  	[dreg:$0x5] =	wrdreg s5  }
0xb5: {  	[dreg:$0x6] =	wrdreg $0x9  }
0xb6: {  	_ =	task.clear_ibuf [dreg:s10], $0x7FFFF;
	_ =	strace $0x90000046  }
0xb7: {  	s29 =	simm.s32 $0x9;
	_ =	strace $0x80000048  }
0xb8: {  	_ =	swait.ge [sflag:s29], $0x1  }
0xb9: {  	[sflag:s29] =	ssyncadd.s32 $0xFFFFFFFF  }
0xba: {  	_ =	strace $0x90000048  }
0xbb: {  	_ =	sfence  }
0xbc: {  	s30 =	sld [smem:$0x0];
	_ =	sdelay $0x2  }
0xbd: {  	s31 =	sshll.u32 s1, $0xD;
	s1 =	sshrl.u32 s1, $0x2  }
0xbe: {  	s3 =	sand.u32 $0x4000, s31;
	s1 =	sadd.s32 s1, s30  }
0xbf: {  	s0 =	sor.u32 s3, s0;
	s1 =	sshll.u32 s1, $0x11  }
0xc0: {  	s0 =	sor.u32 s1, s0  }
0xc1: {  	s0 =	sadd.s32 $0x8F2B, s0  }
0xc2: {  	[sflag:s0] =	ssyncadd.remote.s32 $0x1  }
0xc3: {  	_ =	sfence.sel $0xFFFF  }
0xc4: {  	[dreg:$0x0] =	wrdreg $0xFFFFFFFF;
	(pc) =	sbr.abs _section_cstart, $3  }
0xc5: {  	[dreg:$0x1] =	wrdreg $0xFFFFFFFF  }
0xc6: {  	_ =	task.clear_ibuf [dreg:s10], $0x2FFFF;
	_ =	strace $0x9FFFFFFF  }
0xc7: {  	(tm) =	ssettm $0x7FFFFFFF  }
tec
execute0_lowered:
.L_overlay_start_1:
0x0: {  	(tag) =	ssettag $0x1  }
0x1: {  	s1 =	rddreg [dreg:$0x0]  }
0x2: {  	s2 =	rddreg [dreg:$0x1]  }
0x3: {  	s7 =	rddreg [dreg:$0x2];
	s3 =	srdreg.scid  }
0x4: {  	s0 =	stileid.u32;
	s4 =	rddreg [dreg:$0x3]  }
0x5: {  	s5 =	simm.s32 $0x0;
	s12 =	simm.s32 $0x12600;
	s13 =	simm.s32 $0x3100  }
0x6: {  	s14 =	simm.s32 $0x1;
	s6 =	sand.u32 $0x1, s3;
	s8 =	sshll.u32 s0, $0x1  }
0x7: {  	s15 =	simm.s32 $0x2;
	s16 =	simm.s32 $0x3;
	s8 =	sor.u32 s6, s8  }
0x8: {  	s17 =	simm.s32 $0x5;
	s18 =	simm.s32 $0x4;
	s9 =	smul.u32 $0x1880, s8  }
.Ltmp0:
0x9: {  	s19 =	simm.s32 $0x0;
	s6 =	ssub.s32 $0x2, s6;
	(pc) =	sbr.rel .LBB2_1-.Ltmp0, $4  }
0xa: {  	[smem:$0x7FF] =	sst s5;
	s10 =	sshrl.u32 s6, $0x1;
	s11 =	smul.u32 $0x9300, s8  }
0xb: {  	s3 =	rddreg [dreg:$0x4];
	_ =	strace $0x80000047;
	s10 =	ssub.s32 s6, s10  }
0xc: {  	s6 =	smul.u32 $0x18, s8;
	s7 =	sadd.s32 s7, s9;
	s8 =	sadd.s32 s1, s11  }
0xd: {  	s9 =	sadd.s32 s2, s11;
	s10 =	smax.u32 s10, $0x1;
	s11 =	simm.s32 $0x6200  }
.LBB2_8:
0xe: {  	s19 =	sadd.s32 $0x1, s19  }
0xf: {  	p0 =	sne.s32 s19, s10  }
.Ltmp1:
0x10: {  	_ = 	snop;
	(pc) =	sbr.rel @!p0 .LBB2_9-.Ltmp1, $4  }
0x11: {  	_ = 	snop  }
0x12: {  	_ =	swait.ge [sflag:s17], $0xC400  }
0x13: {  	[sflag:s17] =	ssyncset.done $0x0  }
0x14: {  	[sflag:s17] =	ssyncadd.s32 $0xFFFF3C00  }
.LBB2_1:
0x15: {  	[tilespmem:s11], [sflag:$0x3] =	stream.linear.gather [hbm4b:s7+s5], $0xC400, $0x38;
	[tilespmem:$0x1EA00] =	vst v63  }
0x16: {  	_ = 	snop  }
0x17: {  	[tilespmem:s12], [sflag:$0x4] =	stream.linear.gather [hbm4b:s7+s5], $0xC400, $0x38;
	[tilespmem:$0x1EA00] =	vst v63  }
0x18: {  	_ = 	snop  }
0x19: {  	[tilespmem:s5], [sflag:$0x1] =	stream.linear.gather [hbm4b:s8+s5], $0x3100, $0x38;
	[tilespmem:$0x1EA00] =	vst v63  }
0x1a: {  	s20 =	simm.s32 $0x0  }
0x1b: {  	[tilespmem:s13], [sflag:$0x2] =	stream.linear.gather [hbm4b:s9+s5], $0x3100, $0x38;
	[tilespmem:$0x1EA00] =	vst v63  }
.LBB2_2:
0x1c: {  	_ =	swait.ge [sflag:s14], $0x3100  }
0x1d: {  	[sflag:s14] =	ssyncset.done $0x0  }
0x1e: {  	[sflag:s14] =	ssyncadd.s32 $0xFFFFCF00  }
0x1f: {  	_ =	swait.ge [sflag:s15], $0x3100  }
0x20: {  	p0 =	seq.s32 s20, $0x0;
	[sflag:s15] =	ssyncset.done $0x0  }
0x21: {  	s21 =	simm.s32 @!p0 $0x5;
	[sflag:s15] =	ssyncadd.s32 $0xFFFFCF00  }
0x22: {  	s24 =	sshll.u32 s20, $0x1;
	_ =	swait.ge @!p0 [sflag:s21], $0xC400  }
0x23: {  	s22 =	sadd.s32 s6, s24;
	[sflag:s21] =	ssyncset.done @!p0 $0x0  }
0x24: {  	s23 =	simm.s32 @!p0 $0x12600;
	[sflag:s21] =	ssyncadd.s32 @!p0 $0xFFFF3C00;
	s21 =	simm.s32 @!p0 $0x0  }
0x25: {  	[tilespmem:s23], [sflag:$0x4] =	stream.linear.gather @!p0 [hbm4b:s7+s21], $0xC400, $0x38;
	[tilespmem:$0x1EA00] =	vst v63  }
0x26: {  	s23 =	smul.u32 $0xC400, s22;
	_ =	swait.ge [sflag:s16], $0xC400  }
0x27: {  	s21 =	sor.u32 @!p0 $0x1, s24;
	[sflag:s16] =	ssyncset.done $0x0  }
0x28: {  	s24 =	simm.s32 $0x0;
	s21 =	simm.s32 @p0 $0x1;
	v0 =	vmov s23;
	[sflag:s16] =	ssyncadd.s32 $0xFFFF3C00  }
.LBB2_3:
0x29: {  	s25 =	sshra.s32 s24, $0x2  }
0x2a: {  	v1 =	vld [tilespmem:s25+$0x0];
	_ =	sdelay $0x4  }
0x2b: {  	v2 =	vsub.s32 v1, v0  }
0x2c: {  	v1 =	vand.u32 $0x7F, v1;
	v2 =	vand.u32 $0xFFFFFF80, v2  }
0x2d: {  	v3 =	vld [tilespmem:s25+$0x3100];
	v1 =	vor.u32 v1, v2;
	_ =	sdelay $0x4  }
0x2e: {  	[tilespmem:v1+s11+$0x0] =	vst.idx.msk $0xffff, v3  }
0x2f: {  	v1 =	vld [tilespmem:s25+$0x10];
	_ =	sdelay $0x4  }
0x30: {  	v2 =	vsub.s32 v1, v0  }
0x31: {  	v1 =	vand.u32 $0x7F, v1;
	v2 =	vand.u32 $0xFFFFFF80, v2  }
0x32: {  	v3 =	vld [tilespmem:s25+$0x3110];
	v1 =	vor.u32 v1, v2;
	_ =	sdelay $0x4  }
0x33: {  	[tilespmem:v1+s11+$0x0] =	vst.idx.msk $0xffff, v3  }
0x34: {  	v1 =	vld [tilespmem:s25+$0x20];
	_ =	sdelay $0x4  }
0x35: {  	v2 =	vsub.s32 v1, v0  }
0x36: {  	v1 =	vand.u32 $0x7F, v1;
	v2 =	vand.u32 $0xFFFFFF80, v2  }
0x37: {  	v3 =	vld [tilespmem:s25+$0x3120];
	v1 =	vor.u32 v1, v2;
	_ =	sdelay $0x4  }
0x38: {  	[tilespmem:v1+s11+$0x0] =	vst.idx.msk $0xffff, v3  }
0x39: {  	v1 =	vld [tilespmem:s25+$0x30];
	_ =	sdelay $0x4  }
0x3a: {  	v2 =	vsub.s32 v1, v0  }
0x3b: {  	v1 =	vand.u32 $0x7F, v1;
	v2 =	vand.u32 $0xFFFFFF80, v2  }
0x3c: {  	p0 =	sne.s32 s24, $0xC300;
	v3 =	vld [tilespmem:s25+$0x3130];
	v1 =	vor.u32 v1, v2  }
.Ltmp2:
0x3d: {  	_ = 	snop;
	(pc) =	sbr.rel @p0 .LBB2_3-.Ltmp2, $2  }
0x3e: {  	_ =	sdelay $0x2  }
0x3f: {  	s24 =	sadd.s32 $0x100, s24;
	[tilespmem:v1+s11+$0x0] =	vst.idx.msk $0xffff, v3  }
0x40: {  	s23 =	sshrl.u32 s23, $0x3  }
0x41: {  	s22 =	smul.u32 $0x3100, s22;
	s23 =	sadd.s32 s4, s23  }
0x42: {  	[hbm4b:s23+s5] =	stream.linear.scatter [tilespmem:s11], [sflag:$0x5], $0xC400, $0x38;
	[tilespmem:$0x1EA00] =	vst v63  }
0x43: {  	s22 =	sshrl.u32 s22, $0x3  }
0x44: {  	s22 =	sadd.s32 $0x620, s22  }
0x45: {  	s31 =	sadd.s32 s1, s22  }
0x46: {  	[tilespmem:s5], [sflag:$0x1] =	stream.linear.gather [hbm4b:s31+s5], $0x3100, $0x38;
	[tilespmem:$0x1EA00] =	vst v63  }
0x47: {  	s22 =	sadd.s32 s2, s22  }
0x48: {  	[tilespmem:s13], [sflag:$0x2] =	stream.linear.gather [hbm4b:s22+s5], $0x3100, $0x38;
	[tilespmem:$0x1EA00] =	vst v63  }
0x49: {  	_ =	swait.ge [sflag:s14], $0x3100  }
0x4a: {  	[sflag:s14] =	ssyncset.done $0x0  }
0x4b: {  	[sflag:s14] =	ssyncadd.s32 $0xFFFFCF00  }
0x4c: {  	_ =	swait.ge [sflag:s15], $0x3100  }
0x4d: {  	[sflag:s15] =	ssyncset.done $0x0  }
0x4e: {  	[sflag:s15] =	ssyncadd.s32 $0xFFFFCF00  }
0x4f: {  	_ =	swait.ge [sflag:s17], $0xC400  }
0x50: {  	s21 =	sadd.s32 s6, s21;
	p0 =	seq.s32 s20, $0xB;
	[sflag:s17] =	ssyncset.done $0x0  }
0x51: {  	s23 =	simm.s32 @!p0 $0x6200;
	s22 =	simm.s32 @!p0 $0x0;
	[sflag:s17] =	ssyncadd.s32 $0xFFFF3C00  }
0x52: {  	[tilespmem:s23], [sflag:$0x3] =	stream.linear.gather @!p0 [hbm4b:s7+s22], $0xC400, $0x38;
	[tilespmem:$0x1EA00] =	vst v63  }
0x53: {  	s22 =	smul.u32 $0xC400, s21;
	_ =	swait.ge [sflag:s18], $0xC400  }
0x54: {  	[sflag:s18] =	ssyncset.done $0x0  }
0x55: {  	s23 =	simm.s32 $0x0;
	v0 =	vmov s22;
	[sflag:s18] =	ssyncadd.s32 $0xFFFF3C00  }
.LBB2_5:
0x56: {  	s24 =	sshra.s32 s23, $0x2  }
0x57: {  	v1 =	vld [tilespmem:s24+$0x0];
	_ =	sdelay $0x4  }
0x58: {  	v2 =	vsub.s32 v1, v0  }
0x59: {  	v1 =	vand.u32 $0x7F, v1;
	v2 =	vand.u32 $0xFFFFFF80, v2  }
0x5a: {  	v3 =	vld [tilespmem:s24+$0x3100];
	v1 =	vor.u32 v1, v2;
	_ =	sdelay $0x4  }
0x5b: {  	[tilespmem:v1+s12+$0x0] =	vst.idx.msk $0xffff, v3  }
0x5c: {  	v1 =	vld [tilespmem:s24+$0x10];
	_ =	sdelay $0x4  }
0x5d: {  	v2 =	vsub.s32 v1, v0  }
0x5e: {  	v1 =	vand.u32 $0x7F, v1;
	v2 =	vand.u32 $0xFFFFFF80, v2  }
0x5f: {  	v3 =	vld [tilespmem:s24+$0x3110];
	v1 =	vor.u32 v1, v2;
	_ =	sdelay $0x4  }
0x60: {  	[tilespmem:v1+s12+$0x0] =	vst.idx.msk $0xffff, v3  }
0x61: {  	v1 =	vld [tilespmem:s24+$0x20];
	_ =	sdelay $0x4  }
0x62: {  	v2 =	vsub.s32 v1, v0  }
0x63: {  	v1 =	vand.u32 $0x7F, v1;
	v2 =	vand.u32 $0xFFFFFF80, v2  }
0x64: {  	v3 =	vld [tilespmem:s24+$0x3120];
	v1 =	vor.u32 v1, v2;
	_ =	sdelay $0x4  }
0x65: {  	[tilespmem:v1+s12+$0x0] =	vst.idx.msk $0xffff, v3  }
0x66: {  	v1 =	vld [tilespmem:s24+$0x30];
	_ =	sdelay $0x4  }
0x67: {  	v2 =	vsub.s32 v1, v0  }
0x68: {  	v1 =	vand.u32 $0x7F, v1;
	v2 =	vand.u32 $0xFFFFFF80, v2  }
0x69: {  	p1 =	sne.s32 s23, $0xC300;
	v3 =	vld [tilespmem:s24+$0x3130];
	v1 =	vor.u32 v1, v2  }
.Ltmp3:
0x6a: {  	_ = 	snop;
	(pc) =	sbr.rel @p1 .LBB2_5-.Ltmp3, $2  }
0x6b: {  	_ =	sdelay $0x2  }
0x6c: {  	s23 =	sadd.s32 $0x100, s23;
	[tilespmem:v1+s12+$0x0] =	vst.idx.msk $0xffff, v3  }
.Ltmp4:
0x6d: {  	(pc) =	sbr.rel @p0 .LBB2_8-.Ltmp4, $4  }
0x6e: {  	_ = 	snop  }
0x6f: {  	s22 =	sshrl.u32 s22, $0x3  }
0x70: {  	s22 =	sadd.s32 s4, s22  }
0x71: {  	[hbm4b:s22+s5] =	stream.linear.scatter [tilespmem:s12], [sflag:$0x5], $0xC400, $0x38;
	[tilespmem:$0x1EA00] =	vst v63  }
0x72: {  	s21 =	smul.u32 $0x3100, s21;
	_ =	sdelay $0x1  }
0x73: {  	s21 =	sshrl.u32 s21, $0x3  }
.Ltmp5:
0x74: {  	s21 =	sadd.s32 $0x620, s21;
	(pc) =	sbr.rel .LBB2_2-.Ltmp5, $4  }
0x75: {  	s22 =	sadd.s32 s1, s21  }
0x76: {  	[tilespmem:s5], [sflag:$0x1] =	stream.linear.gather [hbm4b:s22+s5], $0x3100, $0x38;
	[tilespmem:$0x1EA00] =	vst v63  }
0x77: {  	s20 =	sadd.s32 $0x1, s20;
	s21 =	sadd.s32 s2, s21  }
0x78: {  	[tilespmem:s13], [sflag:$0x2] =	stream.linear.gather [hbm4b:s21+s5], $0x3100, $0x38;
	[tilespmem:$0x1EA00] =	vst v63  }
.LBB2_9:
0x79: {  	_ =	sfence.sel $0x180000  }
0x7a: {  	[bflag:$0x0] =	sbarrier.arrive $0xFFFF  }
0x7b: {  	p0 =	sne.s32 s0, $0x0;
	_ =	strace $0x90000047  }
0x7c: {  	s0 =	sadd.s32 @!p0 $0x100000, s3;
	[bflag:$0x2] =	sbarrier.arrive $0xFFFF  }
0x7d: {  	[sflag:s0] =	ssyncadd.tile.s32 @!p0 $0x1;
	_ =	shalt  }
.Lfunc_end2:
_tile_overlayer_lowered:
.L_overlay_start_2:
0x7e: {  	(tag) =	ssettag $0x2  }
0x7f: {  	s0 =	rddreg [dreg:$0x0];
	s2 =	stileid.u32  }
0x80: {  	s1 =	rddreg [dreg:$0x1];
	p0 =	sne.s32 s2, $0x0  }
0x81: {  	s3 =	rddreg [dreg:$0x2];
	[bflag:$0x3] =	sbarrier.arrive $0xFFFF;
	s2 =	simm.s32 @!p0 $0x1C06  }
0x82: {  	[timem:s3], [sflag:s2] =	dma.local @!p0 [hbm:s0], s1  }
0x83: {  	s0 =	simm.s32 @!p0 $0x6  }
0x84: {  	_ =	swait.ge @!p0 [sflag:s0], s1  }
0x85: {  	s1 =	ssub.s32 @!p0 $0x0, s1;
	[sflag:s0] =	ssyncset.done @!p0 $0x0  }
0x86: {  	[sflag:s0] =	ssyncadd.s32 @!p0 s1  }
0x87: {  	[bflag:$0x3] =	sbarrier.arrive $0xFFFF  }
0x88: {  	_ =	shalt  }

</sc_bundles>
